<compile_context>
chip_gen: v7x
topology: tpu7x:2x2x1
jax: 0.10.2.dev20260603
libtpu: 0.0.44.dev20260713+nightly
codegen_flags: <defaults>
</compile_context>

<pallas_src>
import functools

import jax
import jax.numpy as jnp
from jax import lax
from jax.experimental import pallas as pl
from jax.experimental.pallas import tpu as pltpu
from jax.experimental.pallas import tpu_sc as plsc

N = 50000
K = 32
NC = 1
NS = 8
NW = NC * NS
CH = 6272
NEG = float("-inf")

_mesh = plsc.VectorSubcoreMesh(
    core_axis_name="c", subcore_axis_name="s", num_cores=NC, num_subcores=NS)


@functools.partial(
    pl.kernel,
    out_type=jax.ShapeDtypeStruct((N,), jnp.float32),
    mesh=_mesh,
    scratch_types=[
        pltpu.VMEM((CH,), jnp.float32),
        pltpu.VMEM((CH,), jnp.int32),
        pltpu.VMEM((16,), jnp.int32),
        pltpu.VMEM((K,), jnp.int32),
        pltpu.VMEM((K, 128), jnp.float32),
        pltpu.SemaphoreType.DMA,
        pltpu.SemaphoreType.DMA,
        pltpu.SemaphoreType.DMA,
    ],
    compiler_params=pltpu.CompilerParams(
        needs_layout_passes=False,
        use_tc_tiling_on_sc=True,
        disable_bounds_checks=True,
        disable_semaphore_checks=True,
    ),
)
def _sc_kernel(recv_hbm, vis_hbm, pos_hbm, heat_hbm, out_hbm,
               buf, vis_buf, pos_v, recv_row, heat_nbhd, sem1, sem2, sem3):
    wid = lax.axis_index("s") * NC + lax.axis_index("c")
    base = pl.multiple_of(wid * CH, 8)

    cp3 = pltpu.async_copy(vis_hbm.at[pl.ds(base, CH)], vis_buf, sem3)

    pltpu.sync_copy(pos_hbm, pos_v.at[pl.ds(0, 1)])
    pos = pos_v[pl.ds(0, 16)][0]
    off = pl.multiple_of(pos * K, 8)
    cp1 = pltpu.async_copy(recv_hbm.at[pl.ds(off, K)], recv_row, sem1)
    posa = pl.multiple_of((pos // 128) * 128, 128)
    posm = pos - posa
    cp2 = pltpu.async_copy(heat_hbm.at[:, pl.ds(posa, 128)], heat_nbhd, sem2)

    neg = jnp.full((16,), NEG, dtype=jnp.float32)

    def fill(i, carry):
        b = pl.multiple_of(i * 64, 16)
        buf[pl.ds(b, 16)] = neg
        buf[pl.ds(b + 16, 16)] = neg
        buf[pl.ds(b + 32, 16)] = neg
        buf[pl.ds(b + 48, 16)] = neg
        return carry

    lax.fori_loop(0, CH // 64, fill, 0)

    cp1.wait()
    cp2.wait()
    cp3.wait()
    for g in range(K // 16):
        idxg = recv_row[pl.ds(g * 16, 16)]
        rowi = lax.iota(jnp.int32, 16) + g * 16
        valg = plsc.load_gather(heat_nbhd, [rowi, jnp.full((16,), posm, jnp.int32)])
        m = (idxg >= base) & (idxg < base + CH)
        lg = jnp.clip(idxg - base, 0, CH - 1)
        visg = plsc.load_gather(vis_buf, [lg], mask=m)
        sval = jnp.where(visg == 1, neg, valg)
        plsc.store_scatter(buf, [lg], sval, mask=m)
    pltpu.sync_copy(buf, out_hbm.at[pl.ds(base, CH)])


def kernel(receivers, visited_mask, position, heatmap):
    pos = jnp.asarray(position, dtype=jnp.int32).reshape(1)
    return _sc_kernel(receivers, visited_mask, pos, heatmap.T)

# --- scband reference (transcript-rebuilt; emitter-appended) ---
"""Pipeline reference for scband-sparse-heatmap-actor-83992380441157 (READ-ONLY COPY).

The authoritative reference and input builder live on the scoring server;
editing this copy changes nothing except your own understanding.
"""

import jax, jax.numpy as jnp
import numpy as np

PROBLEM_SIZE = 50000
NUM_EDGES = 1600000
K = NUM_EDGES // PROBLEM_SIZE
SCALE = 1.0


def setup_inputs(seed: int = 0) -> dict:
    key = jax.random.key(seed)
    k1, k2 = jax.random.split(key)
    receivers = jax.random.randint(k1, (NUM_EDGES,), 0, PROBLEM_SIZE, dtype=jnp.int32)
    visited_mask = jax.random.randint(k2, (PROBLEM_SIZE,), 0, 2, dtype=jnp.int32)
    # learned parameter: heatmap initialized to constant `scale`
    heatmap = jnp.full((PROBLEM_SIZE, K), SCALE, dtype=jnp.float32)
    position = 123  # scalar int: current node position in the tour
    return {"receivers": receivers, "visited_mask": visited_mask, "position": position, "heatmap": heatmap}


def reference(receivers, visited_mask, position, heatmap):
    # Faithful translation of SparseHeatmapActor.__call__
    k = heatmap.shape[1]
    # 1. init logits with -inf with shape [problem_size]
    logits = jnp.full(PROBLEM_SIZE, -jnp.inf, dtype=heatmap.dtype)
    # 2. set logits at indices of receivers of the current position to the heatmap value
    idx = receivers.reshape(PROBLEM_SIZE, k)[position]
    logits = logits.at[idx].set(heatmap[position])
    # 3. set logits to -inf at indices of visited nodes
    logits = jnp.where(visited_mask == 1, -jnp.inf, logits)
    return logits

if __name__ == "__main__":
    import jax
    _d = setup_inputs()
    print(jax.jit(kernel)(*tuple(_d.values())))

</pallas_src>

<mosaic_0001>
#map = affine_map<(d0, d1) -> (0)>
#map1 = affine_map<(d0, d1) -> (0, 0)>
module attributes {stable_mosaic.version = 14 : i64} {
  func.func @_sc_kernel(%arg0: i32, %arg1: i32, %arg2: memref<1600000xi32, #tpu.memory_space<hbm>>, %arg3: memref<50000xi32, #tpu.memory_space<hbm>>, %arg4: memref<1xi32, #tpu.memory_space<hbm>>, %arg5: memref<32x50000xf32, #tpu.memory_space<hbm>>, %arg6: memref<50000xf32, #tpu.memory_space<hbm>>, %arg7: memref<6272xf32, #tpu.memory_space<vmem>>, %arg8: memref<6272xi32, #tpu.memory_space<vmem>>, %arg9: memref<16xi32, #tpu.memory_space<vmem>>, %arg10: memref<32xi32, #tpu.memory_space<vmem>>, %arg11: memref<32x128xf32, #tpu.memory_space<vmem>>, %arg12: memref<!tpu.dma_semaphore, #tpu.memory_space<semaphore_mem>>, %arg13: memref<!tpu.dma_semaphore, #tpu.memory_space<semaphore_mem>>, %arg14: memref<!tpu.dma_semaphore, #tpu.memory_space<semaphore_mem>>) attributes {dimension_semantics = [#tpu.dimension_semantics<core_parallel>, #tpu.dimension_semantics<subcore_parallel>], iteration_bounds = array<i64: 1, 8>, scalar_prefetch = 0 : i64, scratch_operands = 8 : i64, tpu.core_type = #tpu.core_type<sc_vector_subcore>, window_params = [{transform_indices = #map}, {transform_indices = #map}, {transform_indices = #map}, {transform_indices = #map1}, {transform_indices = #map}]} {
    %mul3A = arith.constant 1 : i32
    %mul3A_0 = arith.muli %arg1, %mul3A : i32
    %add3A = arith.addi %mul3A_0, %arg0 : i32
    %mul3A_1 = arith.constant 6272 : i32
    %mul3A_2 = arith.muli %add3A, %mul3A_1 : i32
    %multiple_of3A = tpu.assume_multiple %mul3A_2, 8 : i32
    %dma_start3A = tpu.memref_slice %arg3[%multiple_of3A] : memref<50000xi32, #tpu.memory_space<hbm>> -> memref<6272xi32, #tpu.memory_space<hbm>>
    %dma_start3A_3 = tpu.memref_slice %arg3[%multiple_of3A] : memref<50000xi32, #tpu.memory_space<hbm>> -> memref<6272xi32, #tpu.memory_space<hbm>>
    tpu.enqueue_dma source(%dma_start3A_3 : memref<6272xi32, #tpu.memory_space<hbm>>) target(%arg8 : memref<6272xi32, #tpu.memory_space<vmem>>) target_semaphore(%arg14 : memref<!tpu.dma_semaphore, #tpu.memory_space<semaphore_mem>>)
    "tpu.region"() ({
      %run_scoped3A = tpu.sem_alloc : memref<!tpu.dma_semaphore, #tpu.memory_space<semaphore_mem>>
      %dma_start3A_96 = arith.constant 0 : i32
      %dma_start3A_97 = tpu.memref_slice %arg9[%dma_start3A_96] : memref<16xi32, #tpu.memory_space<vmem>> -> memref<1xi32, #tpu.memory_space<vmem>>
      %dma_start3A_98 = arith.constant 0 : i32
      %dma_start3A_99 = tpu.memref_slice %arg9[%dma_start3A_98] : memref<16xi32, #tpu.memory_space<vmem>> -> memref<1xi32, #tpu.memory_space<vmem>>
      tpu.enqueue_dma source(%arg4 : memref<1xi32, #tpu.memory_space<hbm>>) target(%dma_start3A_99 : memref<1xi32, #tpu.memory_space<vmem>>) target_semaphore(%run_scoped3A : memref<!tpu.dma_semaphore, #tpu.memory_space<semaphore_mem>>)
      %dma_wait3A_100 = arith.constant 0 : i32
      %dma_wait3A_101 = tpu.memref_slice %arg9[%dma_wait3A_100] : memref<16xi32, #tpu.memory_space<vmem>> -> memref<1xi32, #tpu.memory_space<vmem>>
      %dma_wait3A_102 = arith.constant 0 : i32
      %dma_wait3A_103 = tpu.memref_slice %arg9[%dma_wait3A_102] : memref<16xi32, #tpu.memory_space<vmem>> -> memref<1xi32, #tpu.memory_space<vmem>>
      tpu.wait_dma2 semaphore(%run_scoped3A : memref<!tpu.dma_semaphore, #tpu.memory_space<semaphore_mem>>) src(%arg4 : memref<1xi32, #tpu.memory_space<hbm>>) dst(%dma_wait3A_103 : memref<1xi32, #tpu.memory_space<vmem>>)
      tpu.yield
    }) : () -> ()
    %get3A = arith.constant 0 : index
    %get3A_4 = tpu.vector_load %arg9[%get3A] {strides = array<i32>} : memref<16xi32, #tpu.memory_space<vmem>>, vector<16xi32>,
    %slice3A = vector.extract_strided_slice %get3A_4 {offsets = [0], sizes = [1], strides = [1]} : vector<16xi32> to vector<1xi32>
    %squeeze3A = vector.extract %slice3A[0] : i32 from vector<1xi32>
    %mul3A_5 = arith.constant 32 : i32
    %mul3A_6 = arith.muli %squeeze3A, %mul3A_5 : i32
    %multiple_of3A_7 = tpu.assume_multiple %mul3A_6, 8 : i32
    %dma_start3A_8 = tpu.memref_slice %arg2[%multiple_of3A_7] : memref<1600000xi32, #tpu.memory_space<hbm>> -> memref<32xi32, #tpu.memory_space<hbm>>
    %dma_start3A_9 = tpu.memref_slice %arg2[%multiple_of3A_7] : memref<1600000xi32, #tpu.memory_space<hbm>> -> memref<32xi32, #tpu.memory_space<hbm>>
    tpu.enqueue_dma source(%dma_start3A_9 : memref<32xi32, #tpu.memory_space<hbm>>) target(%arg10 : memref<32xi32, #tpu.memory_space<vmem>>) target_semaphore(%arg12 : memref<!tpu.dma_semaphore, #tpu.memory_space<semaphore_mem>>)
    %jit3A = arith.constant 128 : i32
    %div3A = arith.divsi %squeeze3A, %jit3A : i32
    %sign3A = arith.constant 0 : i32
    %sign3A_10 = arith.cmpi sgt, %squeeze3A, %sign3A : i32
    %sign3A_11 = arith.extui %sign3A_10 : i1 to i32
    %sign3A_12 = arith.constant 0 : i32
    %sign3A_13 = arith.cmpi slt, %squeeze3A, %sign3A_12 : i32
    %sign3A_14 = arith.extui %sign3A_13 : i1 to i32
    %sign3A_15 = arith.subi %sign3A_11, %sign3A_14 : i32
    %sign3A_16 = arith.constant 0 : i32
    %sign3A_17 = arith.cmpi sgt, %jit3A, %sign3A_16 : i32
    %sign3A_18 = arith.extui %sign3A_17 : i1 to i32
    %sign3A_19 = arith.constant 0 : i32
    %sign3A_20 = arith.cmpi slt, %jit3A, %sign3A_19 : i32
    %sign3A_21 = arith.extui %sign3A_20 : i1 to i32
    %sign3A_22 = arith.subi %sign3A_18, %sign3A_21 : i32
    %ne3A = arith.cmpi ne, %sign3A_15, %sign3A_22 : i32
    %rem3A = arith.remsi %squeeze3A, %jit3A : i32
    %ne3A_23 = arith.constant 0 : i32
    %ne3A_24 = arith.cmpi ne, %rem3A, %ne3A_23 : i32
    %and3A = arith.andi %ne3A, %ne3A_24 : i1
    %sub3A = arith.constant 1 : i32
    %sub3A_25 = arith.subi %div3A, %sub3A : i32
    %select_n3A = arith.select %and3A, %sub3A_25, %div3A : i32
    %mul3A_26 = arith.constant 128 : i32
    %mul3A_27 = arith.muli %select_n3A, %mul3A_26 : i32
    %multiple_of3A_28 = tpu.assume_multiple %mul3A_27, 128 : i32
    %sub3A_29 = arith.subi %squeeze3A, %multiple_of3A_28 : i32
    %dma_start3A_30 = arith.constant 0 : i32
    %dma_start3A_31 = tpu.memref_slice %arg5[%dma_start3A_30, %multiple_of3A_28] : memref<32x50000xf32, #tpu.memory_space<hbm>> -> memref<32x128xf32, #tpu.memory_space<hbm>>
    %dma_start3A_32 = arith.constant 0 : i32
    %dma_start3A_33 = tpu.memref_slice %arg5[%dma_start3A_32, %multiple_of3A_28] : memref<32x50000xf32, #tpu.memory_space<hbm>> -> memref<32x128xf32, #tpu.memory_space<hbm>>
    tpu.enqueue_dma source(%dma_start3A_33 : memref<32x128xf32, #tpu.memory_space<hbm>>) target(%arg11 : memref<32x128xf32, #tpu.memory_space<vmem>>) target_semaphore(%arg13 : memref<!tpu.dma_semaphore, #tpu.memory_space<semaphore_mem>>)
    %broadcast_in_dim3A = arith.constant 0xFF800000 : f32
    %broadcast_in_dim3A_34 = vector.broadcast %broadcast_in_dim3A : f32 to vector<16xf32>
    %scan3A = arith.constant 0 : i32
    %scan3A_35 = arith.constant 0 : i32
    %scan3A_36 = arith.constant 98 : i32
    %scan3A_37 = arith.addi %scan3A_35, %scan3A_36 : i32
    %scan3A_38 = arith.constant 1 : i32
    scf.for %scan3A_96 = %scan3A_35 to %scan3A_37 step %scan3A_38  : i32 {
      %mul3A_97 = arith.constant 64 : i32
      %mul3A_98 = arith.muli %scan3A_96, %mul3A_97 : i32
      %multiple_of3A_99 = tpu.assume_multiple %mul3A_98, 16 : i32
      %swap3A = arith.index_cast %multiple_of3A_99 : i32 to index
      %swap3A_100 = tpu.vector_load %arg7[%swap3A] {strides = array<i32>} : memref<6272xf32, #tpu.memory_space<vmem>>, vector<16xf32>,
      tpu.vector_store %arg7[%swap3A], %broadcast_in_dim3A_34 {strides = array<i32>} : memref<6272xf32, #tpu.memory_space<vmem>>, vector<16xf32>,
      %add3A_101 = arith.constant 16 : i32
      %add3A_102 = arith.addi %multiple_of3A_99, %add3A_101 : i32
      %swap3A_103 = arith.index_cast %add3A_102 : i32 to index
      %swap3A_104 = tpu.vector_load %arg7[%swap3A_103] {strides = array<i32>} : memref<6272xf32, #tpu.memory_space<vmem>>, vector<16xf32>,
      tpu.vector_store %arg7[%swap3A_103], %broadcast_in_dim3A_34 {strides = array<i32>} : memref<6272xf32, #tpu.memory_space<vmem>>, vector<16xf32>,
      %add3A_105 = arith.constant 32 : i32
      %add3A_106 = arith.addi %multiple_of3A_99, %add3A_105 : i32
      %swap3A_107 = arith.index_cast %add3A_106 : i32 to index
      %swap3A_108 = tpu.vector_load %arg7[%swap3A_107] {strides = array<i32>} : memref<6272xf32, #tpu.memory_space<vmem>>, vector<16xf32>,
      tpu.vector_store %arg7[%swap3A_107], %broadcast_in_dim3A_34 {strides = array<i32>} : memref<6272xf32, #tpu.memory_space<vmem>>, vector<16xf32>,
      %add3A_109 = arith.constant 48 : i32
      %add3A_110 = arith.addi %multiple_of3A_99, %add3A_109 : i32
      %swap3A_111 = arith.index_cast %add3A_110 : i32 to index
      %swap3A_112 = tpu.vector_load %arg7[%swap3A_111] {strides = array<i32>} : memref<6272xf32, #tpu.memory_space<vmem>>, vector<16xf32>,
      tpu.vector_store %arg7[%swap3A_111], %broadcast_in_dim3A_34 {strides = array<i32>} : memref<6272xf32, #tpu.memory_space<vmem>>, vector<16xf32>,
    }
    %scan3A_39 = arith.constant 98 : i32
    %dma_wait3A = tpu.memref_slice %arg2[%multiple_of3A_7] : memref<1600000xi32, #tpu.memory_space<hbm>> -> memref<32xi32, #tpu.memory_space<hbm>>
    %dma_wait3A_40 = tpu.memref_slice %arg2[%multiple_of3A_7] : memref<1600000xi32, #tpu.memory_space<hbm>> -> memref<32xi32, #tpu.memory_space<hbm>>
    tpu.wait_dma2 semaphore(%arg12 : memref<!tpu.dma_semaphore, #tpu.memory_space<semaphore_mem>>) src(%dma_wait3A_40 : memref<32xi32, #tpu.memory_space<hbm>>) dst(%arg10 : memref<32xi32, #tpu.memory_space<vmem>>)
    %dma_wait3A_41 = arith.constant 0 : i32
    %dma_wait3A_42 = tpu.memref_slice %arg5[%dma_wait3A_41, %multiple_of3A_28] : memref<32x50000xf32, #tpu.memory_space<hbm>> -> memref<32x128xf32, #tpu.memory_space<hbm>>
    %dma_wait3A_43 = arith.constant 0 : i32
    %dma_wait3A_44 = tpu.memref_slice %arg5[%dma_wait3A_43, %multiple_of3A_28] : memref<32x50000xf32, #tpu.memory_space<hbm>> -> memref<32x128xf32, #tpu.memory_space<hbm>>
    tpu.wait_dma2 semaphore(%arg13 : memref<!tpu.dma_semaphore, #tpu.memory_space<semaphore_mem>>) src(%dma_wait3A_44 : memref<32x128xf32, #tpu.memory_space<hbm>>) dst(%arg11 : memref<32x128xf32, #tpu.memory_space<vmem>>)
    %dma_wait3A_45 = tpu.memref_slice %arg3[%multiple_of3A] : memref<50000xi32, #tpu.memory_space<hbm>> -> memref<6272xi32, #tpu.memory_space<hbm>>
    %dma_wait3A_46 = tpu.memref_slice %arg3[%multiple_of3A] : memref<50000xi32, #tpu.memory_space<hbm>> -> memref<6272xi32, #tpu.memory_space<hbm>>
    tpu.wait_dma2 semaphore(%arg14 : memref<!tpu.dma_semaphore, #tpu.memory_space<semaphore_mem>>) src(%dma_wait3A_46 : memref<6272xi32, #tpu.memory_space<hbm>>) dst(%arg8 : memref<6272xi32, #tpu.memory_space<vmem>>)
    %get3A_47 = arith.constant 0 : index
    %get3A_48 = tpu.vector_load %arg10[%get3A_47] {strides = array<i32>} : memref<32xi32, #tpu.memory_space<vmem>>, vector<16xi32>,
    %iota3A = tpu.iota {dimensions = array<i32: 0>} : vector<16xi32>
    %add3A_49 = arith.constant 0 : i32
    %add3A_50 = vector.broadcast %add3A_49 : i32 to vector<16xi32>
    %add3A_51 = arith.addi %iota3A, %add3A_50 : vector<16xi32>
    %broadcast_in_dim3A_52 = vector.broadcast %sub3A_29 : i32 to vector<16xi32>
    %gather3A = tpu.vector_load_idx %arg11[%add3A_51, %broadcast_in_dim3A_52] : memref<32x128xf32, #tpu.memory_space<vmem>>[vector<16xi32>, vector<16xi32>], vector<16xf32>,
    %ge3A = vector.broadcast %multiple_of3A : i32 to vector<16xi32>
    %ge3A_53 = arith.cmpi sge, %get3A_48, %ge3A : vector<16xi32>
    %add3A_54 = arith.constant 6272 : i32
    %add3A_55 = arith.addi %multiple_of3A, %add3A_54 : i32
    %lt3A = vector.broadcast %add3A_55 : i32 to vector<16xi32>
    %lt3A_56 = arith.cmpi slt, %get3A_48, %lt3A : vector<16xi32>
    %and3A_57 = arith.andi %ge3A_53, %lt3A_56 : vector<16xi1>
    %sub3A_58 = vector.broadcast %multiple_of3A : i32 to vector<16xi32>
    %sub3A_59 = arith.subi %get3A_48, %sub3A_58 : vector<16xi32>
    %jit3A_60 = arith.constant 0 : i32
    %jit3A_61 = arith.constant 6271 : i32
    %max3A = vector.broadcast %jit3A_60 : i32 to vector<16xi32>
    %max3A_62 = arith.maxsi %max3A, %sub3A_59 : vector<16xi32>
    %min3A = vector.broadcast %jit3A_61 : i32 to vector<16xi32>
    %min3A_63 = arith.minsi %min3A, %max3A_62 : vector<16xi32>
    %gather3A_64 = tpu.vector_load_idx %arg8[%min3A_63] masked %and3A_57 : memref<6272xi32, #tpu.memory_space<vmem>>[vector<16xi32>], vector<16xi32>, vector<16xi1>
    %eq3A = arith.constant 1 : i32
    %eq3A_65 = vector.broadcast %eq3A : i32 to vector<16xi32>
    %eq3A_66 = arith.cmpi eq, %gather3A_64, %eq3A_65 : vector<16xi32>
    %select_n3A_67 = arith.select %eq3A_66, %broadcast_in_dim3A_34, %gather3A : vector<16xi1>, vector<16xf32>
    tpu.vector_store_idx %arg7[%min3A_63], %select_n3A_67 masked %and3A_57 : memref<6272xf32, #tpu.memory_space<vmem>>[vector<16xi32>], vector<16xf32>, vector<16xi1>
    %get3A_68 = arith.constant 16 : index
    %get3A_69 = tpu.vector_load %arg10[%get3A_68] {strides = array<i32>} : memref<32xi32, #tpu.memory_space<vmem>>, vector<16xi32>,
    %iota3A_70 = tpu.iota {dimensions = array<i32: 0>} : vector<16xi32>
    %add3A_71 = arith.constant 16 : i32
    %add3A_72 = vector.broadcast %add3A_71 : i32 to vector<16xi32>
    %add3A_73 = arith.addi %iota3A_70, %add3A_72 : vector<16xi32>
    %broadcast_in_dim3A_74 = vector.broadcast %sub3A_29 : i32 to vector<16xi32>
    %gather3A_75 = tpu.vector_load_idx %arg11[%add3A_73, %broadcast_in_dim3A_74] : memref<32x128xf32, #tpu.memory_space<vmem>>[vector<16xi32>, vector<16xi32>], vector<16xf32>,
    %ge3A_76 = vector.broadcast %multiple_of3A : i32 to vector<16xi32>
    %ge3A_77 = arith.cmpi sge, %get3A_69, %ge3A_76 : vector<16xi32>
    %add3A_78 = arith.constant 6272 : i32
    %add3A_79 = arith.addi %multiple_of3A, %add3A_78 : i32
    %lt3A_80 = vector.broadcast %add3A_79 : i32 to vector<16xi32>
    %lt3A_81 = arith.cmpi slt, %get3A_69, %lt3A_80 : vector<16xi32>
    %and3A_82 = arith.andi %ge3A_77, %lt3A_81 : vector<16xi1>
    %sub3A_83 = vector.broadcast %multiple_of3A : i32 to vector<16xi32>
    %sub3A_84 = arith.subi %get3A_69, %sub3A_83 : vector<16xi32>
    %jit3A_85 = arith.constant 0 : i32
    %jit3A_86 = arith.constant 6271 : i32
    %max3A_87 = vector.broadcast %jit3A_85 : i32 to vector<16xi32>
    %max3A_88 = arith.maxsi %max3A_87, %sub3A_84 : vector<16xi32>
    %min3A_89 = vector.broadcast %jit3A_86 : i32 to vector<16xi32>
    %min3A_90 = arith.minsi %min3A_89, %max3A_88 : vector<16xi32>
    %gather3A_91 = tpu.vector_load_idx %arg8[%min3A_90] masked %and3A_82 : memref<6272xi32, #tpu.memory_space<vmem>>[vector<16xi32>], vector<16xi32>, vector<16xi1>
    %eq3A_92 = arith.constant 1 : i32
    %eq3A_93 = vector.broadcast %eq3A_92 : i32 to vector<16xi32>
    %eq3A_94 = arith.cmpi eq, %gather3A_91, %eq3A_93 : vector<16xi32>
    %select_n3A_95 = arith.select %eq3A_94, %broadcast_in_dim3A_34, %gather3A_75 : vector<16xi1>, vector<16xf32>
    tpu.vector_store_idx %arg7[%min3A_90], %select_n3A_95 masked %and3A_82 : memref<6272xf32, #tpu.memory_space<vmem>>[vector<16xi32>], vector<16xf32>, vector<16xi1>
    "tpu.region"() ({
      %run_scoped3A = tpu.sem_alloc : memref<!tpu.dma_semaphore, #tpu.memory_space<semaphore_mem>>
      %dma_start3A_96 = tpu.memref_slice %arg6[%multiple_of3A] : memref<50000xf32, #tpu.memory_space<hbm>> -> memref<6272xf32, #tpu.memory_space<hbm>>
      %dma_start3A_97 = tpu.memref_slice %arg6[%multiple_of3A] : memref<50000xf32, #tpu.memory_space<hbm>> -> memref<6272xf32, #tpu.memory_space<hbm>>
      tpu.enqueue_dma source(%arg7 : memref<6272xf32, #tpu.memory_space<vmem>>) target(%dma_start3A_97 : memref<6272xf32, #tpu.memory_space<hbm>>) target_semaphore(%run_scoped3A : memref<!tpu.dma_semaphore, #tpu.memory_space<semaphore_mem>>)
      %dma_wait3A_98 = tpu.memref_slice %arg6[%multiple_of3A] : memref<50000xf32, #tpu.memory_space<hbm>> -> memref<6272xf32, #tpu.memory_space<hbm>>
      %dma_wait3A_99 = tpu.memref_slice %arg6[%multiple_of3A] : memref<50000xf32, #tpu.memory_space<hbm>> -> memref<6272xf32, #tpu.memory_space<hbm>>
      tpu.wait_dma2 semaphore(%run_scoped3A : memref<!tpu.dma_semaphore, #tpu.memory_space<semaphore_mem>>) src(%arg7 : memref<6272xf32, #tpu.memory_space<vmem>>) dst(%dma_wait3A_99 : memref<6272xf32, #tpu.memory_space<hbm>>)
      tpu.yield
    }) : () -> ()
    return
  }
}

</mosaic_0001>

<sc_bundles>
// kernel: kernel.3.cloned.1.call-start
scs
__scs_entry_jumppad:
0x0: {  	(pc) =	sbr.rel $0x88, $3  }
0x1: {  	(tag) =	ssettag $0x0;
	lr =	simm.s32 $0x1  }
0x2: {  	[smem:$0x3F9D] =	sst lr;
	_ =	strace $0xD0000000  }
0x3: {  	_ = 	snop  }
0x4: {  	_ = 	snop  }
0x5: {  	_ = 	snop  }
0x6: {  	_ = 	snop  }
0x7: {  	_ = 	snop  }
__scs_overlays_trampoline_lowered:
0x8: {  	[smem:$0x3FAC] =	sst s0  }
0x9: {  	[smem:$0x3FAD] =	sst s1  }
0xa: {  	[smem:$0x3FAE] =	sst s2  }
0xb: {  	[smem:$0x3FAF] =	sst s3  }
0xc: {  	[smem:$0x3FB0] =	sst s4  }
0xd: {  	[smem:$0x3FB1] =	sst s5  }
0xe: {  	[smem:$0x3FB2] =	sst s6  }
0xf: {  	[smem:$0x3FB3] =	sst s7  }
0x10: {  	[smem:$0x3FB4] =	sst s8  }
0x11: {  	[smem:$0x3FB5] =	sst s9;
	s0 =	simm.s32 @!p0 $0x0  }
0x12: {  	s1 =	sld [smem:$0x3F9B];
	s0 =	simm.s32 @p0 $0x1  }
0x13: {  	[smem:$0x3FB6] =	sst s0;
	s0 =	simm.s32 @!p1 $0x0  }
0x14: {  	s2 =	sld [smem:$0x3F9A];
	s0 =	simm.s32 @p1 $0x1  }
0x15: {  	[smem:$0x3FB7] =	sst s0;
	s0 =	simm.s32 @!p2 $0x0  }
0x16: {  	s3 =	sld [smem:$0x3FDB];
	s0 =	simm.s32 @p2 $0x1  }
0x17: {  	s4 =	simm.s32 $0x1BF5;
	[smem:$0x3FB9] =	sst s0  }
0x18: {  	s0 =	sld [smem:$0x3F9C];
	_ =	swait.ge [sflag:s4], $0x0  }
0x19: {  	s7 =	sld [smem:$0x3F9D]  }
0x1a: {  	s8 =	sadd.s32 $0xFFFFE003, lr  }
0x1b: {  	s9 =	sadd.s32 $0xFFFFFEF7, lr;
	s5 =	simm.s32 $0xFFFFFFFF;
	p2 =	slt.u32 s8, $0xFFFFF086  }
0x1c: {  	p1 =	slt.u32 s9, $0xF7A;
	s5 =	simm.s32 @!p2 $0x0  }
0x1d: {  	s5 =	simm.s32 @p1 $0x1;
	p0 =	seq.s32 s7, s2  }
0x1e: {  	s7 =	smul.u32 @!p0 $0xF7A, s2;
	p2 =	seq.s32 @!p0 s5, $0x0  }
0x1f: {  	s9 =	smul.u32 $0xF7A, s1;
	s8 =	simm.s32 @!p0 $0x1BF5;
	p2 =	por !p2, p0  }
0x20: {  	[sflag:s8] =	ssyncset.s32 @!p0 $0xFFFFF086;
	s6 =	sadd.s32 @!p0 s3, s7;
	s7 =	simm.s32 @!p0 $0x108  }
0x21: {  	s3 =	sadd.s32 s3, s9;
	s6 =	sadd.s32 @!p0 $0x88, s6;
	s7 =	simm.s32 @p2 $0x1082  }
0x22: {  	[simem:s7], [sflag:s8] =	dma.local @!p0 [hbm:s6], $0xF7A  }
0x23: {  	s9 =	sor.u32 $0xD0000000, s2;
	s6 =	simm.s32 $0x108;
	_ =	swait.ge @!p0 [sflag:s8], $0x0  }
0x24: {  	s3 =	sadd.s32 $0x88, s3;
	s6 =	simm.s32 @!p1 $0x1082;
	[sflag:s4] =	ssyncset.s32 $0xFFFFF086  }
0x25: {  	[simem:s6], [sflag:s4] =	dma.local [hbm:s3], $0xF7A  }
0x26: {  	[smem:$0x3F9D] =	sst s1;
	(tag) =	ssettag s2;
	_ =	strace s9  }
0x27: {  	s1 =	sld [smem:$0x3FAD]  }
0x28: {  	s2 =	sld [smem:$0x3FAE]  }
0x29: {  	s4 =	sld [smem:$0x3FB0]  }
0x2a: {  	p0 =	seq.s32 s5, $0x0;
	s5 =	sld [smem:$0x3FB1]  }
0x2b: {  	s6 =	sld [smem:$0x3FB2]  }
0x2c: {  	s7 =	sld [smem:$0x3FB3]  }
0x2d: {  	s3 =	simm.s32 $0x108;
	s8 =	sld [smem:$0x3FB4]  }
0x2e: {  	s3 =	simm.s32 @!p0 $0x1082;
	s9 =	sld [smem:$0x3FB5]  }
0x2f: {  	lr =	sadd.s32 s0, s3;
	s0 =	sld [smem:$0x3FAC]  }
0x30: {  	s3 =	sld [smem:$0x3FAF]  }
0x31: {  	[smem:$0x3FB8] =	sst s10  }
0x32: {  	s10 =	sld [smem:$0x3FB6];
	_ =	sdelay $0x3  }
0x33: {  	p0 =	seq.s32 s10, $0x1;
	s10 =	sld [smem:$0x3FB8];
	_ =	sdelay $0x3  }
0x34: {  	[smem:$0x3FB8] =	sst s10  }
0x35: {  	s10 =	sld [smem:$0x3FB7];
	_ =	sdelay $0x3  }
0x36: {  	p1 =	seq.s32 s10, $0x1;
	s10 =	sld [smem:$0x3FB8];
	_ =	sdelay $0x3  }
0x37: {  	[smem:$0x3FB8] =	sst s10  }
0x38: {  	s10 =	sld [smem:$0x3FB9]  }
0x39: {  	_ = 	snop;
	(pc) =	sbr.ind lr, $3  }
0x3a: {  	_ = 	snop  }
0x3b: {  	_ = 	snop  }
0x3c: {  	p2 =	seq.s32 s10, $0x1;
	s10 =	sld [smem:$0x3FB8]  }
0x3d: {  	_ =	shalt  }
0x3e: {  	_ =	shalt  }
0x3f: {  	_ =	shalt  }
0x40: {  	_ =	shalt  }
0x41: {  	_ =	shalt  }
0x42: {  	_ =	shalt  }
0x43: {  	_ =	shalt  }
0x44: {  	_ =	shalt  }
0x45: {  	_ =	shalt  }
0x46: {  	_ =	shalt  }
0x47: {  	_ =	shalt  }
0x48: {  	_ =	shalt  }
0x49: {  	_ =	shalt  }
0x4a: {  	_ =	shalt  }
0x4b: {  	_ =	shalt  }
0x4c: {  	_ =	shalt  }
0x4d: {  	_ =	shalt  }
0x4e: {  	_ =	shalt  }
0x4f: {  	_ =	shalt  }
0x50: {  	_ =	shalt  }
0x51: {  	_ =	shalt  }
0x52: {  	_ =	shalt  }
0x53: {  	_ =	shalt  }
0x54: {  	_ =	shalt  }
0x55: {  	_ =	shalt  }
0x56: {  	_ =	shalt  }
0x57: {  	_ =	shalt  }
0x58: {  	_ =	shalt  }
0x59: {  	_ =	shalt  }
0x5a: {  	_ =	shalt  }
0x5b: {  	_ =	shalt  }
0x5c: {  	_ =	shalt  }
0x5d: {  	_ =	shalt  }
0x5e: {  	_ =	shalt  }
0x5f: {  	_ =	shalt  }
0x60: {  	_ =	shalt  }
0x61: {  	_ =	shalt  }
0x62: {  	_ =	shalt  }
0x63: {  	_ =	shalt  }
0x64: {  	_ =	shalt  }
0x65: {  	_ =	shalt  }
0x66: {  	_ =	shalt  }
0x67: {  	_ =	shalt  }
0x68: {  	_ =	shalt  }
0x69: {  	_ =	shalt  }
0x6a: {  	_ =	shalt  }
0x6b: {  	_ =	shalt  }
0x6c: {  	_ =	shalt  }
0x6d: {  	_ =	shalt  }
0x6e: {  	_ =	shalt  }
0x6f: {  	_ =	shalt  }
0x70: {  	_ =	shalt  }
0x71: {  	_ =	shalt  }
0x72: {  	_ =	shalt  }
0x73: {  	_ =	shalt  }
0x74: {  	_ =	shalt  }
0x75: {  	_ =	shalt  }
0x76: {  	_ =	shalt  }
0x77: {  	_ =	shalt  }
0x78: {  	_ =	shalt  }
0x79: {  	_ =	shalt  }
0x7a: {  	_ =	shalt  }
0x7b: {  	_ =	shalt  }
0x7c: {  	_ =	shalt  }
0x7d: {  	_ =	shalt  }
0x7e: {  	_ =	shalt  }
0x7f: {  	_ =	shalt  }
0x80: {  	_ =	shalt  }
0x81: {  	_ =	shalt  }
0x82: {  	_ =	shalt  }
0x83: {  	_ =	shalt  }
0x84: {  	_ =	shalt  }
0x85: {  	_ =	shalt  }
0x86: {  	_ =	shalt  }
0x87: {  	_ =	shalt  }
.Lfunc_end0:
.L_simem_size_0:
called_computation_lowered:
.L_overlay_start_0:
0x88: {  	s0 =	sld [smem:$0x3FD9]  }
0x89: {  	s1 =	sld [smem:$0x3FFE];
	_ =	sdelay $0x3  }
0x8a: {  	s0 =	sadd.s32 s1, s0  }
0x8b: {  	[smem:$0x3FC4] =	sst s0  }
0x8c: {  	_ = 	snop  }
0x8d: {  	s0 =	sld [smem:$0x3FC9]  }
0x8e: {  	s17 =	sld [smem:$0x3FC8]  }
0x8f: {  	s2 =	sld [smem:$0x3FC7]  }
0x90: {  	s3 =	sld [smem:$0x3FC6]  }
0x91: {  	s4 =	sld [smem:$0x3FD0];
	(tm) =	ssettm $0x1  }
0x92: {  	s5 =	sld [smem:$0x3FFB];
	_ =	sdelay $0x3  }
0x93: {  	_ =	strace s5  }
0x94: {  	s5 =	sld [smem:$0x3FFC];
	_ =	sdelay $0x3  }
0x95: {  	_ =	strace s5  }
0x96: {  	s5 =	sld [smem:$0x3FFD];
	_ =	sdelay $0x3  }
0x97: {  	_ =	strace s5  }
0x98: {  	_ =	strace $0x8FFFFFFF  }
0x99: {  	s18 =	sld [smem:$0x3FDB];
	_ =	sdelay $0x1  }
0x9a: {  	s6 =	simm.s32 $_scs_section_size  }
0x9b: {  	s7 =	simm.s32 $_size__tile_overlayer_lowered;
	s8 =	simm.s32 $_tile_overlayer_lowered  }
0x9c: {  	s21 =	simm.s32 $0x1BFF;
	s20 =	sshll.u32 s8, $0x1;
	s5 =	sadd.s32 s6, s18  }
0x9d: {  	s9 =	simm.s32 $0x0;
	s19 =	sshll.u32 s7, $0x1;
	s7 =	sadd.s32 s20, s5  }
0x9e: {  	[timem:s9], [sflag:s21] =	dma.local [hbm:s7], s19  }
0x9f: {  	_ =	swait.ge [sflag:s21], s19  }
0xa0: {  	s6 =	ssub.s32 $0x0, s19;
	[sflag:s21] =	ssyncset.done $0x0  }
0xa1: {  	[sflag:s21] =	ssyncadd.s32 s6;
	_ =	sdelay $0x1  }
0xa2: {  	s22 =	simm.s32 $0x1B8B  }
0xa3: {  	_ =	swait.ge [sflag:s22], $0x1  }
0xa4: {  	[sflag:s22] =	ssyncset.done $0x0  }
0xa5: {  	s23 =	simm.s32 $0x1B8E;
	[sflag:s22] =	ssyncadd.s32 $0xFFFFFFFF  }
0xa6: {  	s24 =	simm.s32 $execute0_lowered;
	[smem:$0x3FD2] =	sst s23  }
0xa7: {  	s6 =	sshll.u32 s24, $0x1;
	_ =	strace $0x80000046;
	[dreg:$0x1] =	wrdreg $0xFFFFFFFF  }
0xa8: {  	s25 =	simm.s32 $_size_execute0_lowered;
	s5 =	sadd.s32 s5, s6;
	[dreg:$0x0] =	wrdreg $0x0  }
0xa9: {  	s6 =	sshll.u32 s25, $0x1;
	[dreg:$0x2] =	wrdreg s5  }
0xaa: {  	[dreg:$0x3] =	wrdreg s6  }
0xab: {  	[dreg:$0x4] =	wrdreg $0xC0  }
0xac: {  	_ =	task [dreg:s9], $0x5FFFF  }
0xad: {  	[dreg:$0x1] =	wrdreg $0xFFFFFFFF  }
0xae: {  	[dreg:$0x0] =	wrdreg $0x60  }
0xaf: {  	[dreg:$0x2] =	wrdreg s0  }
0xb0: {  	[dreg:$0x3] =	wrdreg s17  }
0xb1: {  	[dreg:$0x4] =	wrdreg s2  }
0xb2: {  	[dreg:$0x5] =	wrdreg s3  }
0xb3: {  	[dreg:$0x6] =	wrdreg s4  }
0xb4: {  	[dreg:$0x7] =	wrdreg $0x9  }
0xb5: {  	_ =	task.clear_ibuf [dreg:s9], $0x8FFFF;
	_ =	strace $0x90000046  }
0xb6: {  	s26 =	simm.s32 $0x9;
	_ =	strace $0x80000048  }
0xb7: {  	_ =	swait.ge [sflag:s26], $0x1  }
0xb8: {  	[sflag:s26] =	ssyncadd.s32 $0xFFFFFFFF  }
0xb9: {  	_ =	strace $0x90000048  }
0xba: {  	_ =	sfence  }
0xbb: {  	s28 =	sld [smem:$0x0];
	_ =	sdelay $0x1  }
0xbc: {  	s29 =	srdreg.scid  }
0xbd: {  	s30 =	sshll.u32 s29, $0xD;
	s31 =	sshrl.u32 s29, $0x2  }
0xbe: {  	s1 =	sand.u32 $0x1, s29;
	s2 =	sand.u32 $0x4000, s30;
	s0 =	sadd.s32 s31, s28  }
0xbf: {  	s1 =	sor.u32 s2, s1;
	s0 =	sshll.u32 s0, $0x11  }
0xc0: {  	s0 =	sor.u32 s0, s1  }
0xc1: {  	s0 =	sadd.s32 $0x8F2B, s0  }
0xc2: {  	[sflag:s0] =	ssyncadd.remote.s32 $0x1  }
0xc3: {  	_ =	sfence.sel $0xFFFF  }
0xc4: {  	[dreg:$0x0] =	wrdreg $0xFFFFFFFF;
	(pc) =	sbr.abs _section_cstart, $3  }
0xc5: {  	[dreg:$0x1] =	wrdreg $0xFFFFFFFF  }
0xc6: {  	_ =	task.clear_ibuf [dreg:s9], $0x2FFFF;
	_ =	strace $0x9FFFFFFF  }
0xc7: {  	(tm) =	ssettm $0x7FFFFFFF  }
tec
execute0_lowered:
.L_overlay_start_1:
0x0: {  	(tag) =	ssettag $0x1  }
0x1: {  	s4 =	rddreg [dreg:$0x0];
	s1 =	stileid.u32  }
0x2: {  	s7 =	rddreg [dreg:$0x1];
	p0 =	sgt.u32 s1, $0x7  }
.Ltmp0:
0x3: {  	s2 =	rddreg [dreg:$0x2];
	(pc) =	sbr.rel @p0 .LBB2_4-.Ltmp0, $4  }
0x4: {  	s5 =	rddreg [dreg:$0x3]  }
0x5: {  	s3 =	rddreg [dreg:$0x4];
	s6 =	simm.s32 $0x0  }
0x6: {  	[smem:$0x7FF] =	sst s6  }
0x7: {  	s0 =	rddreg [dreg:$0x5];
	_ =	strace $0x80000047  }
0x8: {  	s8 =	smul.u32 $0x1880, s1;
	_ =	sdelay $0x1  }
0x9: {  	s9 =	sshrl.u32 s8, $0x3  }
0xa: {  	s10 =	simm.s32 $0x1880;
	s7 =	sadd.s32 s7, s9  }
0xb: {  	[tilespmem:s10], [sflag:$0x3] =	stream.linear.gather [hbm4b:s7+s6], $0x1880, $0x38;
	[tilespmem:$0x4200] =	vst v63  }
0xc: {  	s19 =	simm.s32 $0x3100;
	s20 =	simm.s32 $0x4  }
0xd: {  	[tilespmem:s19], [sflag:$0x4] =	stream.linear.gather [hbm4b:s2+s6], $0x1, $0x38;
	[tilespmem:$0x4200] =	vst v63  }
0xe: {  	_ =	swait.ge [sflag:s20], $0x1  }
0xf: {  	[sflag:s20] =	ssyncset.done $0x0  }
0x10: {  	[sflag:s20] =	ssyncadd.s32 $0xFFFFFFFF  }
0x11: {  	v0 =	vld [tilespmem:$0x3100];
	_ =	sdelay $0x4  }
0x12: {  	(v2sf) =	vpush v0, $0x0;
	_ =	sdelay $0xe  }
0x13: {  	s22 =	simm.s32 $0x3180;
	s2 =	spop (v2sf)  }
0x14: {  	s21 =	sshll.u32 s2, $0x2;
	s23 =	sand.u32 $0x7F, s2;
	s24 =	sshra.s32 s2, $0x1F  }
0x15: {  	p0 =	slt.s32 s2, $0x1;
	s7 =	sand.u32 $0x1FFFFFFC, s21;
	p1 =	sne.s32 s23, $0x0  }
0x16: {  	s25 =	sshrl.u32 s24, $0x19;
	s4 =	sadd.s32 s4, s7;
	p0 =	por !p0, !p1  }
0x17: {  	[tilespmem:s22], [sflag:$0x1] =	stream.linear.gather [hbm4b:s4+s6], $0x20, $0x38;
	[tilespmem:$0x4200] =	vst v63  }
0x18: {  	s4 =	sadd.s32 s25, s2;
	p0 =	por !p0, !p0;
	s6 =	simm.s32 $0x1  }
0x19: {  	s4 =	sshrl.u32 s4, $0x7;
	s6 =	simm.s32 @!p0 $0x0  }
0x1a: {  	s4 =	ssub.s32 s4, s6  }
0x1b: {  	s4 =	sshll.u32 s4, $0x7  }
0x1c: {  	s28 =	simm.s32 $0x400;
	s29 =	simm.s32 $0x61C00;
	s26 =	sand.u32 $0x1FFFFF80, s4  }
0x1d: {  	s30 =	simm.s32 $0x3200;
	s31 =	sadd.s32 $0x1880, s8;
	s5 =	sadd.s32 s5, s26  }
0x1e: {  	[tilespmem:s30], [sflag:$0x2] =	stream.strided.gather [hbm4b:s5+s28], $0x1000, s29, s28, $0x38;
	[tilespmem:$0x4200] =	vst v63  }
0x1f: {  	v2 =	vimm.f32 $-Inf;
	v1 =	vmov s31;
	s3 =	sadd.s32 s3, s9;
	v0 =	vmov s8;
	s6 =	simm.s32 $0x100;
	s5 =	simm.s32 $0x0  }
.LBB2_2:
0x20: {  	p0 =	sne.s32 s6, $0x6100;
	[tilespmem:s5+$0x30] =	vst v2;
	s7 =	smov.u32 s6;
	s6 =	sadd.s32 $0x100, s6  }
.Ltmp1:
0x21: {  	[tilespmem:s5+$0x20] =	vst v2;
	(pc) =	sbr.rel @p0 .LBB2_2-.Ltmp1, $3  }
0x22: {  	[tilespmem:s5+$0x0] =	vst v2  }
0x23: {  	[tilespmem:s5+$0x10] =	vst v2;
	_ =	sdelay $0x1  }
0x24: {  	s5 =	sshra.s32 s7, $0x2  }
0x25: {  	[tilespmem:s5+$0x30] =	vst v2  }
0x26: {  	[tilespmem:s5+$0x20] =	vst v2  }
0x27: {  	[tilespmem:s5+$0x0] =	vst v2  }
0x28: {  	[tilespmem:s5+$0x10] =	vst v2;
	s25 =	simm.s32 $0x1  }
0x29: {  	_ =	swait.ge [sflag:s25], $0x20  }
0x2a: {  	[sflag:s25] =	ssyncset.done $0x0  }
0x2b: {  	s26 =	simm.s32 $0x2;
	[sflag:s25] =	ssyncadd.s32 $0xFFFFFFE0  }
0x2c: {  	_ =	swait.ge [sflag:s26], $0x1000  }
0x2d: {  	[sflag:s26] =	ssyncset.done $0x0  }
0x2e: {  	s28 =	simm.s32 $0x3;
	[sflag:s26] =	ssyncadd.s32 $0xFFFFF000  }
0x2f: {  	_ =	swait.ge [sflag:s28], $0x1880  }
0x30: {  	[sflag:s28] =	ssyncset.done $0x0  }
0x31: {  	[sflag:s28] =	ssyncadd.s32 $0xFFFFE780  }
0x32: {  	v56 =	vld [tilespmem:$0x3180];
	_ =	sdelay $0x4  }
0x33: {  	v3 =	vlaneseq.u32;
	v4 =	vsub.s32 v56, v0  }
0x34: {  	vm0 =	vge.s32 v56, v0;
	vm1 =	vlt.s32 v56, v1;
	vm2 =	vgt.s32 v4, $0x0  }
0x35: {  	v57 =	vmul.u32 $0x80, v3;
	vm0 =	vmand vm0, vm1;
	v58 =	vnsel vm2, $0x0, v4  }
0x36: {  	s2 =	ssub.s32 s2, s4;
	v3 =	vmin.u32 v58, $0x187F  }
0x37: {  	v59 =	vadd.s32 s2, v57;
	_ =	sdelay $0x2  }
0x38: {  	s29 =	simm.s32 $0x1880  }
0x39: {  	s30 =	simm.s32 $0x3200;
	v5 =	vld.idx.msk [tilespmem:v3+s29+$0x0], vm0  }
0x3a: {  	v4 =	vld.idx.msk [tilespmem:v59+s30+$0x0], $0xffff;
	_ =	sdelay $0x3  }
0x3b: {  	vm11 =	veq.s32 v5, $0x1  }
0x3c: {  	s6 =	simm.s32 $0x0;
	v4 =	vsel vm11, $0xFF800000, v4  }
0x3d: {  	[tilespmem:v3+s6+$0x0] =	vst.idx.msk vm0, v4  }
0x3e: {  	v3 =	vld [tilespmem:$0x3190];
	_ =	sdelay $0x4  }
0x3f: {  	v60 =	vsub.s32 v3, v0  }
0x40: {  	vm12 =	vge.s32 v3, v0;
	vm13 =	vlt.s32 v3, v1;
	vm14 =	vgt.s32 v60, $0x0  }
0x41: {  	vm0 =	vmand vm12, vm13;
	v61 =	vnsel vm14, $0x0, v60  }
0x42: {  	v62 =	vor.u32 $0x800, v57;
	v0 =	vmin.u32 v61, $0x187F  }
0x43: {  	v1 =	vadd.s32 s2, v62;
	_ =	sdelay $0x3  }
0x44: {  	v63 =	vld.idx.msk [tilespmem:v0+s29+$0x0], vm0  }
0x45: {  	v1 =	vld.idx.msk [tilespmem:v1+s30+$0x0], $0xffff;
	_ =	sdelay $0x3  }
0x46: {  	vm15 =	veq.s32 v63, $0x1  }
0x47: {  	v1 =	vsel vm15, $0xFF800000, v1  }
0x48: {  	s31 =	simm.s32 $0x4;
	[tilespmem:v0+s6+$0x0] =	vst.idx.msk vm0, v1  }
0x49: {  	[hbm4b:s3+s6] =	stream.linear.scatter [tilespmem:s6], [sflag:$0x4], $0x1880, $0x38;
	[tilespmem:$0x4200] =	vst v63  }
0x4a: {  	_ =	swait.ge [sflag:s31], $0x1880  }
0x4b: {  	[sflag:s31] =	ssyncset.done $0x0  }
0x4c: {  	[sflag:s31] =	ssyncadd.s32 $0xFFFFE780  }
.LBB2_4:
0x4d: {  	_ =	sfence.sel $0x180000  }
0x4e: {  	[bflag:$0x0] =	sbarrier.arrive $0xFFFF  }
0x4f: {  	p0 =	sne.s32 s1, $0x0;
	_ =	strace $0x90000047  }
0x50: {  	s0 =	sadd.s32 @!p0 $0x100000, s0;
	[bflag:$0x2] =	sbarrier.arrive $0xFFFF  }
0x51: {  	[sflag:s0] =	ssyncadd.tile.s32 @!p0 $0x1;
	_ =	shalt  }
.Lfunc_end2:
_tile_overlayer_lowered:
.L_overlay_start_2:
0x52: {  	(tag) =	ssettag $0x2  }
0x53: {  	s0 =	rddreg [dreg:$0x0];
	s2 =	stileid.u32  }
0x54: {  	s1 =	rddreg [dreg:$0x1];
	p0 =	sne.s32 s2, $0x0  }
0x55: {  	s3 =	rddreg [dreg:$0x2];
	[bflag:$0x3] =	sbarrier.arrive $0xFFFF;
	s2 =	simm.s32 @!p0 $0x1C04  }
0x56: {  	[timem:s3], [sflag:s2] =	dma.local @!p0 [hbm:s0], s1  }
0x57: {  	s0 =	simm.s32 @!p0 $0x4  }
0x58: {  	_ =	swait.ge @!p0 [sflag:s0], s1  }
0x59: {  	s1 =	ssub.s32 @!p0 $0x0, s1;
	[sflag:s0] =	ssyncset.done @!p0 $0x0  }
0x5a: {  	[sflag:s0] =	ssyncadd.s32 @!p0 s1  }
0x5b: {  	[bflag:$0x3] =	sbarrier.arrive $0xFFFF  }
0x5c: {  	_ =	shalt  }

</sc_bundles>
